<compile_context>
chip_gen: v7x
topology: tpu7x:2x2x1
jax: 0.10.2.dev20260603
libtpu: 0.0.44.dev20260713+nightly
codegen_flags: <defaults>
</compile_context>

<pallas_src>
import functools

import jax
import jax.numpy as jnp
from jax import lax
from jax.experimental import pallas as pl
from jax.experimental.pallas import tpu as pltpu
from jax.experimental.pallas import tpu_sc as plsc

NC = 2
NS = 16
NW = NC * NS
CH = 128


def _sc_gather(table, idx3, n_rows, d, n_batch):
    n_chunks = idx3.shape[1]
    b_per_w = n_chunks * CH
    half_b = n_batch // 2
    mesh = plsc.VectorSubcoreMesh(core_axis_name="c", subcore_axis_name="s")

    @functools.partial(
        pl.kernel,
        out_type=jax.ShapeDtypeStruct((n_rows // 2, 2 * d), jnp.float32),
        mesh=mesh,
        scratch_types=[
            pltpu.VMEM((n_chunks, CH), jnp.int32),
            pltpu.VMEM((CH, d), jnp.float32),
            pltpu.SemaphoreType.DMA,
        ],
        compiler_params=pltpu.CompilerParams(use_tc_tiling_on_sc=False),
    )
    def gather_kernel(table_hbm, idx_hbm, out_hbm, idx_v, rows_v, sem):
        wid = lax.axis_index("s") * NC + lax.axis_index("c")
        pltpu.sync_copy(idx_hbm.at[wid], idx_v)
        base = wid * b_per_w

        def body(c, carry):
            pltpu.async_copy(table_hbm.at[idx_v.at[c]], rows_v, sem).wait()
            f = base + c * CH
            l = f // n_batch
            r = f % n_batch
            col = (r // half_b) * d
            prow = l * half_b + (r % half_b)
            pltpu.sync_copy(
                rows_v, out_hbm.at[pl.ds(prow, CH), pl.ds(col, d)]
            )
            return carry

        lax.fori_loop(0, n_chunks, body, 0)

    return gather_kernel(table, idx3)


def _mlp_body(d, half_b, h_ref, w1_ref, b1_ref, w2_ref, b2_ref, o_ref):
    h = h_ref[...]
    at = lax.dot_general(
        w1_ref[...], h, (((0,), (1,)), ((), ())),
        preferred_element_type=jnp.float32,
    )
    at = jnp.maximum(at + b1_ref[...], 0.0)
    ot = lax.dot_general(
        w2_ref[...], at, (((0,), (0,)), ((), ())),
        preferred_element_type=jnp.float32,
    )
    ot = jnp.maximum(ot + b2_ref[...], 0.0)
    o_ref[0, :, 0:half_b] = ot[0:d, :]
    o_ref[0, :, half_b:2 * half_b] = ot[d:2 * d, :]


def _tc_mlp(g, w1d, b1c, w2d, b2c, n_batch, n_hist, d):
    half_b = n_batch // 2
    body = functools.partial(_mlp_body, d, half_b)
    return pl.pallas_call(
        body,
        grid=(n_hist,),
        in_specs=[
            pl.BlockSpec((half_b, 2 * d), lambda l: (l, 0)),
            pl.BlockSpec((2 * d, 2 * d), lambda l: (0, 0)),
            pl.BlockSpec((2 * d, 1), lambda l: (0, 0)),
            pl.BlockSpec((2 * d, 2 * d), lambda l: (0, 0)),
            pl.BlockSpec((2 * d, 1), lambda l: (0, 0)),
        ],
        out_specs=pl.BlockSpec((1, d, n_batch), lambda l: (l, 0, 0)),
        out_shape=jax.ShapeDtypeStruct((n_hist, d, n_batch), jnp.float32),
    )(g, w1d, b1c, w2d, b2c)


def _block_diag2(w):
    z = jnp.zeros_like(w)
    return jnp.block([[w, z], [z, w]])


def kernel(x, table, W1, b1, W2, b2):
    B, L = x.shape
    V, D = table.shape
    n_rows = B * L
    n_chunks = n_rows // (NW * CH)
    idx3 = x.T.reshape(NW, n_chunks, CH).astype(jnp.int32)
    table128 = lax.optimization_barrier(table.reshape(V // 2, 2 * D))
    tableL = table128.reshape(V, D)
    gathered = _sc_gather(tableL, idx3, n_rows, D, B)
    w1d = _block_diag2(W1.T)
    w2d = _block_diag2(W2.T)
    b1c = jnp.concatenate([b1, b1]).reshape(2 * D, 1)
    b2c = jnp.concatenate([b2, b2]).reshape(2 * D, 1)
    out = _tc_mlp(gathered, w1d, b1c, w2d, b2c, B, L, D)
    return out.transpose(2, 0, 1)

# --- scband reference (transcript-rebuilt; emitter-appended) ---
"""Pipeline reference for scband-integer-embedding-model-7619271983388 (READ-ONLY COPY).

The authoritative reference and input builder live on the scoring server;
editing this copy changes nothing except your own understanding.
"""

import jax, jax.numpy as jnp
import numpy as np

NUM_EMBEDDINGS = 1000000
N_EMBED = 64
BATCH = 16384
HIST = 50

def setup_inputs(seed: int = 0) -> dict:
    key = jax.random.key(seed)
    k_idx, k_tab, k_w1, k_b1, k_w2, k_b2 = jax.random.split(key, 6)
    x = jax.random.randint(k_idx, (BATCH, HIST), 0, NUM_EMBEDDINGS, dtype=jnp.int64 if jax.config.jax_enable_x64 else jnp.int32)
    table = jax.random.normal(k_tab, (NUM_EMBEDDINGS, N_EMBED), dtype=jnp.float32)
    # nn.Linear default init: U(-1/sqrt(fan_in), 1/sqrt(fan_in))
    bound = 1.0 / np.sqrt(N_EMBED)
    W1 = jax.random.uniform(k_w1, (N_EMBED, N_EMBED), minval=-bound, maxval=bound, dtype=jnp.float32)
    b1 = jax.random.uniform(k_b1, (N_EMBED,), minval=-bound, maxval=bound, dtype=jnp.float32)
    W2 = jax.random.uniform(k_w2, (N_EMBED, N_EMBED), minval=-bound, maxval=bound, dtype=jnp.float32)
    b2 = jax.random.uniform(k_b2, (N_EMBED,), minval=-bound, maxval=bound, dtype=jnp.float32)
    return {"x": x, "table": table, "W1": W1, "b1": b1, "W2": W2, "b2": b2}

def reference(x, table, W1, b1, W2, b2):
    h = jnp.take(table, x, axis=0)            # embedding lookup: [B, L, D]
    h = jax.nn.relu(jnp.dot(h, W1.T) + b1)    # linear1 + relu
    h = jax.nn.relu(jnp.dot(h, W2.T) + b2)    # linear2 + relu
    return h

if __name__ == "__main__":
    import jax
    _d = setup_inputs()
    print(jax.jit(kernel)(*tuple(_d.values())))

</pallas_src>

<mosaic_0001>
#map = affine_map<(d0, d1) -> (0, 0)>
#map1 = affine_map<(d0, d1) -> (0, 0, 0)>
module attributes {stable_mosaic.version = 14 : i64} {
  func.func @gather_kernel(%arg0: i32, %arg1: i32, %arg2: memref<1000000x64xf32, #tpu.memory_space<hbm>>, %arg3: memref<32x200x128xi32, #tpu.memory_space<hbm>>, %arg4: memref<409600x128xf32, #tpu.memory_space<hbm>>, %arg5: memref<200x128xi32, #tpu.memory_space<vmem>>, %arg6: memref<128x64xf32, #tpu.memory_space<vmem>>, %arg7: memref<!tpu.dma_semaphore, #tpu.memory_space<semaphore_mem>>) attributes {dimension_semantics = [#tpu.dimension_semantics<core_parallel>, #tpu.dimension_semantics<subcore_parallel>], iteration_bounds = array<i64: 2, 16>, scalar_prefetch = 0 : i64, scratch_operands = 3 : i64, tpu.core_type = #tpu.core_type<sc_vector_subcore>, window_params = [{transform_indices = #map}, {transform_indices = #map1}, {transform_indices = #map}]} {
    %mul3A = arith.constant 2 : i32
    %mul3A_0 = arith.muli %arg1, %mul3A : i32
    %add3A = arith.addi %mul3A_0, %arg0 : i32
    "tpu.region"() ({
      %run_scoped3A = tpu.sem_alloc : memref<!tpu.dma_semaphore, #tpu.memory_space<semaphore_mem>>
      %dma_start3A = arith.constant 0 : i32
      %dma_start3A_8 = arith.constant 0 : i32
      %dma_start3A_9 = tpu.memref_slice %arg3[%add3A, %dma_start3A, %dma_start3A_8] : memref<32x200x128xi32, #tpu.memory_space<hbm>> -> memref<1x200x128xi32, #tpu.memory_space<hbm>>
      %dma_start3A_10 = tpu.memref_squeeze %dma_start3A_9 : memref<1x200x128xi32, #tpu.memory_space<hbm>> -> memref<200x128xi32, #tpu.memory_space<hbm>>
      %dma_start3A_11 = arith.constant 0 : i32
      %dma_start3A_12 = arith.constant 0 : i32
      %dma_start3A_13 = tpu.memref_slice %arg3[%add3A, %dma_start3A_11, %dma_start3A_12] : memref<32x200x128xi32, #tpu.memory_space<hbm>> -> memref<1x200x128xi32, #tpu.memory_space<hbm>>
      %dma_start3A_14 = tpu.memref_squeeze %dma_start3A_13 : memref<1x200x128xi32, #tpu.memory_space<hbm>> -> memref<200x128xi32, #tpu.memory_space<hbm>>
      tpu.enqueue_dma source(%dma_start3A_14 : memref<200x128xi32, #tpu.memory_space<hbm>>) target(%arg5 : memref<200x128xi32, #tpu.memory_space<vmem>>) target_semaphore(%run_scoped3A : memref<!tpu.dma_semaphore, #tpu.memory_space<semaphore_mem>>)
      %dma_wait3A = arith.constant 0 : i32
      %dma_wait3A_15 = arith.constant 0 : i32
      %dma_wait3A_16 = tpu.memref_slice %arg3[%add3A, %dma_wait3A, %dma_wait3A_15] : memref<32x200x128xi32, #tpu.memory_space<hbm>> -> memref<1x200x128xi32, #tpu.memory_space<hbm>>
      %dma_wait3A_17 = tpu.memref_squeeze %dma_wait3A_16 : memref<1x200x128xi32, #tpu.memory_space<hbm>> -> memref<200x128xi32, #tpu.memory_space<hbm>>
      %dma_wait3A_18 = arith.constant 0 : i32
      %dma_wait3A_19 = arith.constant 0 : i32
      %dma_wait3A_20 = tpu.memref_slice %arg3[%add3A, %dma_wait3A_18, %dma_wait3A_19] : memref<32x200x128xi32, #tpu.memory_space<hbm>> -> memref<1x200x128xi32, #tpu.memory_space<hbm>>
      %dma_wait3A_21 = tpu.memref_squeeze %dma_wait3A_20 : memref<1x200x128xi32, #tpu.memory_space<hbm>> -> memref<200x128xi32, #tpu.memory_space<hbm>>
      tpu.wait_dma2 semaphore(%run_scoped3A : memref<!tpu.dma_semaphore, #tpu.memory_space<semaphore_mem>>) src(%dma_wait3A_21 : memref<200x128xi32, #tpu.memory_space<hbm>>) dst(%arg5 : memref<200x128xi32, #tpu.memory_space<vmem>>)
      tpu.yield
    }) : () -> ()
    %mul3A_1 = arith.constant 25600 : i32
    %mul3A_2 = arith.muli %add3A, %mul3A_1 : i32
    %scan3A = arith.constant 0 : i32
    %scan3A_3 = arith.constant 0 : i32
    %scan3A_4 = arith.constant 200 : i32
    %scan3A_5 = arith.addi %scan3A_3, %scan3A_4 : i32
    %scan3A_6 = arith.constant 1 : i32
    scf.for %scan3A_8 = %scan3A_3 to %scan3A_5 step %scan3A_6  : i32 {
      %dma_start3A = arith.constant 0 : i32
      %dma_start3A_9 = tpu.memref_slice %arg5[%scan3A_8, %dma_start3A] : memref<200x128xi32, #tpu.memory_space<vmem>> -> memref<1x128xi32, #tpu.memory_space<vmem>>
      %dma_start3A_10 = tpu.memref_squeeze %dma_start3A_9 : memref<1x128xi32, #tpu.memory_space<vmem>> -> memref<128xi32, #tpu.memory_space<vmem>>
      %dma_start3A_11 = arith.constant 0 : i32
      %dma_start3A_12 = arith.constant 0 : i32
      %dma_start3A_13 = tpu.memref_slice %arg2[%dma_start3A_11, %dma_start3A_12] : memref<1000000x64xf32, #tpu.memory_space<hbm>> -> memref<1000000x64xf32, #tpu.memory_space<hbm>>
      tpu.enqueue_indirect_dma source(%dma_start3A_13 : memref<1000000x64xf32, #tpu.memory_space<hbm>>) target(%arg6 : memref<128x64xf32, #tpu.memory_space<vmem>>) offsets(%dma_start3A_10 : memref<128xi32, #tpu.memory_space<vmem>>) semaphore(%arg7 : memref<!tpu.dma_semaphore, #tpu.memory_space<semaphore_mem>>)
      %dma_wait3A = arith.constant 0 : i32
      %dma_wait3A_14 = tpu.memref_slice %arg5[%scan3A_8, %dma_wait3A] : memref<200x128xi32, #tpu.memory_space<vmem>> -> memref<1x128xi32, #tpu.memory_space<vmem>>
      %dma_wait3A_15 = tpu.memref_squeeze %dma_wait3A_14 : memref<1x128xi32, #tpu.memory_space<vmem>> -> memref<128xi32, #tpu.memory_space<vmem>>
      %dma_wait3A_16 = arith.constant 0 : i32
      %dma_wait3A_17 = arith.constant 0 : i32
      %dma_wait3A_18 = tpu.memref_slice %arg2[%dma_wait3A_16, %dma_wait3A_17] : memref<1000000x64xf32, #tpu.memory_space<hbm>> -> memref<1000000x64xf32, #tpu.memory_space<hbm>>
      tpu.wait_indirect_dma semaphore(%arg7 : memref<!tpu.dma_semaphore, #tpu.memory_space<semaphore_mem>>) src(%dma_wait3A_18 : memref<1000000x64xf32, #tpu.memory_space<hbm>>) dst(%arg6 : memref<128x64xf32, #tpu.memory_space<vmem>>)
      %mul3A_19 = arith.constant 128 : i32
      %mul3A_20 = arith.muli %scan3A_8, %mul3A_19 : i32
      %add3A_21 = arith.addi %mul3A_2, %mul3A_20 : i32
      %jit3A = arith.constant 16384 : i32
      %div3A = arith.divsi %add3A_21, %jit3A : i32
      %sign3A = arith.constant 0 : i32
      %sign3A_22 = arith.cmpi sgt, %add3A_21, %sign3A : i32
      %sign3A_23 = arith.extui %sign3A_22 : i1 to i32
      %sign3A_24 = arith.constant 0 : i32
      %sign3A_25 = arith.cmpi slt, %add3A_21, %sign3A_24 : i32
      %sign3A_26 = arith.extui %sign3A_25 : i1 to i32
      %sign3A_27 = arith.subi %sign3A_23, %sign3A_26 : i32
      %sign3A_28 = arith.constant 0 : i32
      %sign3A_29 = arith.cmpi sgt, %jit3A, %sign3A_28 : i32
      %sign3A_30 = arith.extui %sign3A_29 : i1 to i32
      %sign3A_31 = arith.constant 0 : i32
      %sign3A_32 = arith.cmpi slt, %jit3A, %sign3A_31 : i32
      %sign3A_33 = arith.extui %sign3A_32 : i1 to i32
      %sign3A_34 = arith.subi %sign3A_30, %sign3A_33 : i32
      %ne3A = arith.cmpi ne, %sign3A_27, %sign3A_34 : i32
      %rem3A = arith.remsi %add3A_21, %jit3A : i32
      %ne3A_35 = arith.constant 0 : i32
      %ne3A_36 = arith.cmpi ne, %rem3A, %ne3A_35 : i32
      %and3A = arith.andi %ne3A, %ne3A_36 : i1
      %sub3A = arith.constant 1 : i32
      %sub3A_37 = arith.subi %div3A, %sub3A : i32
      %select_n3A = arith.select %and3A, %sub3A_37, %div3A : i32
      %jit3A_38 = arith.constant 16384 : i32
      %eq3A = arith.constant 0 : i32
      %eq3A_39 = arith.cmpi eq, %jit3A_38, %eq3A : i32
      %jit3A_40 = arith.constant 1 : i32
      %select_n3A_41 = arith.select %eq3A_39, %jit3A_40, %jit3A_38 : i32
      %rem3A_42 = arith.remsi %add3A_21, %select_n3A_41 : i32
      %ne3A_43 = arith.constant 0 : i32
      %ne3A_44 = arith.cmpi ne, %rem3A_42, %ne3A_43 : i32
      %lt3A = arith.constant 0 : i32
      %lt3A_45 = arith.cmpi slt, %rem3A_42, %lt3A : i32
      %lt3A_46 = arith.constant 0 : i32
      %lt3A_47 = arith.cmpi slt, %select_n3A_41, %lt3A_46 : i32
      %ne3A_48 = arith.xori %lt3A_45, %lt3A_47 : i1
      %and3A_49 = arith.andi %ne3A_48, %ne3A_44 : i1
      %add3A_50 = arith.addi %rem3A_42, %select_n3A_41 : i32
      %select_n3A_51 = arith.select %and3A_49, %add3A_50, %rem3A_42 : i32
      %jit3A_52 = arith.constant 8192 : i32
      %div3A_53 = arith.divsi %select_n3A_51, %jit3A_52 : i32
      %sign3A_54 = arith.constant 0 : i32
      %sign3A_55 = arith.cmpi sgt, %select_n3A_51, %sign3A_54 : i32
      %sign3A_56 = arith.extui %sign3A_55 : i1 to i32
      %sign3A_57 = arith.constant 0 : i32
      %sign3A_58 = arith.cmpi slt, %select_n3A_51, %sign3A_57 : i32
      %sign3A_59 = arith.extui %sign3A_58 : i1 to i32
      %sign3A_60 = arith.subi %sign3A_56, %sign3A_59 : i32
      %sign3A_61 = arith.constant 0 : i32
      %sign3A_62 = arith.cmpi sgt, %jit3A_52, %sign3A_61 : i32
      %sign3A_63 = arith.extui %sign3A_62 : i1 to i32
      %sign3A_64 = arith.constant 0 : i32
      %sign3A_65 = arith.cmpi slt, %jit3A_52, %sign3A_64 : i32
      %sign3A_66 = arith.extui %sign3A_65 : i1 to i32
      %sign3A_67 = arith.subi %sign3A_63, %sign3A_66 : i32
      %ne3A_68 = arith.cmpi ne, %sign3A_60, %sign3A_67 : i32
      %rem3A_69 = arith.remsi %select_n3A_51, %jit3A_52 : i32
      %ne3A_70 = arith.constant 0 : i32
      %ne3A_71 = arith.cmpi ne, %rem3A_69, %ne3A_70 : i32
      %and3A_72 = arith.andi %ne3A_68, %ne3A_71 : i1
      %sub3A_73 = arith.constant 1 : i32
      %sub3A_74 = arith.subi %div3A_53, %sub3A_73 : i32
      %select_n3A_75 = arith.select %and3A_72, %sub3A_74, %div3A_53 : i32
      %mul3A_76 = arith.constant 64 : i32
      %mul3A_77 = arith.muli %select_n3A_75, %mul3A_76 : i32
      %mul3A_78 = arith.constant 8192 : i32
      %mul3A_79 = arith.muli %select_n3A, %mul3A_78 : i32
      %jit3A_80 = arith.constant 8192 : i32
      %eq3A_81 = arith.constant 0 : i32
      %eq3A_82 = arith.cmpi eq, %jit3A_80, %eq3A_81 : i32
      %jit3A_83 = arith.constant 1 : i32
      %select_n3A_84 = arith.select %eq3A_82, %jit3A_83, %jit3A_80 : i32
      %rem3A_85 = arith.remsi %select_n3A_51, %select_n3A_84 : i32
      %ne3A_86 = arith.constant 0 : i32
      %ne3A_87 = arith.cmpi ne, %rem3A_85, %ne3A_86 : i32
      %lt3A_88 = arith.constant 0 : i32
      %lt3A_89 = arith.cmpi slt, %rem3A_85, %lt3A_88 : i32
      %lt3A_90 = arith.constant 0 : i32
      %lt3A_91 = arith.cmpi slt, %select_n3A_84, %lt3A_90 : i32
      %ne3A_92 = arith.xori %lt3A_89, %lt3A_91 : i1
      %and3A_93 = arith.andi %ne3A_92, %ne3A_87 : i1
      %add3A_94 = arith.addi %rem3A_85, %select_n3A_84 : i32
      %select_n3A_95 = arith.select %and3A_93, %add3A_94, %rem3A_85 : i32
      %add3A_96 = arith.addi %mul3A_79, %select_n3A_95 : i32
      "tpu.region"() ({
        %run_scoped3A = tpu.sem_alloc : memref<!tpu.dma_semaphore, #tpu.memory_space<semaphore_mem>>
        %dma_start3A_97 = tpu.memref_slice %arg4[%add3A_96, %mul3A_77] : memref<409600x128xf32, #tpu.memory_space<hbm>> -> memref<128x64xf32, #tpu.memory_space<hbm>>
        %dma_start3A_98 = tpu.memref_slice %arg4[%add3A_96, %mul3A_77] : memref<409600x128xf32, #tpu.memory_space<hbm>> -> memref<128x64xf32, #tpu.memory_space<hbm>>
        tpu.enqueue_dma source(%arg6 : memref<128x64xf32, #tpu.memory_space<vmem>>) target(%dma_start3A_98 : memref<128x64xf32, #tpu.memory_space<hbm>>) target_semaphore(%run_scoped3A : memref<!tpu.dma_semaphore, #tpu.memory_space<semaphore_mem>>)
        %dma_wait3A_99 = tpu.memref_slice %arg4[%add3A_96, %mul3A_77] : memref<409600x128xf32, #tpu.memory_space<hbm>> -> memref<128x64xf32, #tpu.memory_space<hbm>>
        %dma_wait3A_100 = tpu.memref_slice %arg4[%add3A_96, %mul3A_77] : memref<409600x128xf32, #tpu.memory_space<hbm>> -> memref<128x64xf32, #tpu.memory_space<hbm>>
        tpu.wait_dma2 semaphore(%run_scoped3A : memref<!tpu.dma_semaphore, #tpu.memory_space<semaphore_mem>>) src(%arg6 : memref<128x64xf32, #tpu.memory_space<vmem>>) dst(%dma_wait3A_100 : memref<128x64xf32, #tpu.memory_space<hbm>>)
        tpu.yield
      }) : () -> ()
    }
    %scan3A_7 = arith.constant 200 : i32
    return
  }
}

module attributes {stable_mosaic.version = 14 : i64} {
  func.func @_mlp_body(%arg0: i32, %arg1: memref<8192x128xf32, #tpu.memory_space<vmem>>, %arg2: memref<128x128xf32, #tpu.memory_space<vmem>>, %arg3: memref<128x1xf32, #tpu.memory_space<vmem>>, %arg4: memref<128x128xf32, #tpu.memory_space<vmem>>, %arg5: memref<128x1xf32, #tpu.memory_space<vmem>>, %arg6: memref<1x64x16384xf32, #tpu.memory_space<vmem>>) attributes {dimension_semantics = [#tpu.dimension_semantics<arbitrary>], iteration_bounds = array<i64: 50>, scalar_prefetch = 0 : i64, scratch_operands = 0 : i64, tpu.core_type = #tpu.core_type<tc>, window_params = [{transform_indices = @transform_0, window_bounds = array<i64: 8192, 128>}, {pipeline_mode = #tpu.pipeline_mode<synchronous>, transform_indices = @transform_1, window_bounds = array<i64: 128, 128>}, {pipeline_mode = #tpu.pipeline_mode<synchronous>, transform_indices = @transform_2, window_bounds = array<i64: 128, 1>}, {pipeline_mode = #tpu.pipeline_mode<synchronous>, transform_indices = @transform_3, window_bounds = array<i64: 128, 128>}, {pipeline_mode = #tpu.pipeline_mode<synchronous>, transform_indices = @transform_4, window_bounds = array<i64: 128, 1>}, {transform_indices = @transform_5, window_bounds = array<i64: 1, 64, 16384>}]} {
    %get3A = arith.constant 0 : index
    %get3A_0 = arith.constant 0 : index
    %get3A_1 = vector.load %arg1[%get3A, %get3A_0] : memref<8192x128xf32, #tpu.memory_space<vmem>>, vector<8192x128xf32>
    %get3A_2 = arith.constant 0 : index
    %get3A_3 = arith.constant 0 : index
    %get3A_4 = vector.load %arg2[%get3A_2, %get3A_3] : memref<128x128xf32, #tpu.memory_space<vmem>>, vector<128x128xf32>
    %dot_general3A = arith.constant dense<0.000000e+00> : vector<128x8192xf32>
    %dot_general3A_5 = tpu.matmul %get3A_4, %get3A_1, %dot_general3A {dimension_numbers = #tpu.dot_dimension_numbers<[0], [1], [1], [0], [0, 1, 1, 0], [], []>, transpose_lhs_hint = false} : vector<128x128xf32>, vector<8192x128xf32>, vector<128x8192xf32> -> vector<128x8192xf32>
    %get3A_6 = arith.constant 0 : index
    %get3A_7 = arith.constant 0 : index
    %get3A_8 = vector.load %arg3[%get3A_6, %get3A_7] : memref<128x1xf32, #tpu.memory_space<vmem>>, vector<128x1xf32>
    %add3A = vector.broadcast %get3A_8 : vector<128x1xf32> to vector<128x8192xf32>
    %add3A_9 = arith.addf %dot_general3A_5, %add3A : vector<128x8192xf32>
    %max3A = arith.constant 0.000000e+00 : f32
    %max3A_10 = vector.broadcast %max3A : f32 to vector<128x8192xf32>
    %max3A_11 = arith.maximumf %add3A_9, %max3A_10 : vector<128x8192xf32>
    %get3A_12 = arith.constant 0 : index
    %get3A_13 = arith.constant 0 : index
    %get3A_14 = vector.load %arg4[%get3A_12, %get3A_13] : memref<128x128xf32, #tpu.memory_space<vmem>>, vector<128x128xf32>
    %dot_general3A_15 = arith.constant dense<0.000000e+00> : vector<128x8192xf32>
    %dot_general3A_16 = tpu.matmul %get3A_14, %max3A_11, %dot_general3A_15 {dimension_numbers = #tpu.dot_dimension_numbers<[0], [0], [1], [1], [0, 1, 1, 1], [], []>, transpose_lhs_hint = false} : vector<128x128xf32>, vector<128x8192xf32>, vector<128x8192xf32> -> vector<128x8192xf32>
    %get3A_17 = arith.constant 0 : index
    %get3A_18 = arith.constant 0 : index
    %get3A_19 = vector.load %arg5[%get3A_17, %get3A_18] : memref<128x1xf32, #tpu.memory_space<vmem>>, vector<128x1xf32>
    %add3A_20 = vector.broadcast %get3A_19 : vector<128x1xf32> to vector<128x8192xf32>
    %add3A_21 = arith.addf %dot_general3A_16, %add3A_20 : vector<128x8192xf32>
    %max3A_22 = arith.constant 0.000000e+00 : f32
    %max3A_23 = vector.broadcast %max3A_22 : f32 to vector<128x8192xf32>
    %max3A_24 = arith.maximumf %add3A_21, %max3A_23 : vector<128x8192xf32>
    %slice3A = vector.extract_strided_slice %max3A_24 {offsets = [0, 0], sizes = [64, 8192], strides = [1, 1]} : vector<128x8192xf32> to vector<64x8192xf32>
    %swap3A = arith.constant 0 : index
    %swap3A_25 = arith.constant 0 : index
    %swap3A_26 = arith.constant 0 : index
    %swap3A_27 = vector.load %arg6[%swap3A, %swap3A_25, %swap3A_26] : memref<1x64x16384xf32, #tpu.memory_space<vmem>>, vector<1x64x8192xf32>
    %swap3A_28 = vector.shape_cast %swap3A_27 : vector<1x64x8192xf32> to vector<64x8192xf32>
    %swap3A_29 = vector.shape_cast %slice3A : vector<64x8192xf32> to vector<1x64x8192xf32>
    tpu.vector_store %arg6[%swap3A, %swap3A_25, %swap3A_26], %swap3A_29 {strides = array<i32>} : memref<1x64x16384xf32, #tpu.memory_space<vmem>>, vector<1x64x8192xf32>,
    %slice3A_30 = vector.extract_strided_slice %max3A_24 {offsets = [64, 0], sizes = [64, 8192], strides = [1, 1]} : vector<128x8192xf32> to vector<64x8192xf32>
    %swap3A_31 = arith.constant 0 : index
    %swap3A_32 = arith.constant 0 : index
    %swap3A_33 = arith.constant 8192 : index
    %swap3A_34 = vector.load %arg6[%swap3A_31, %swap3A_32, %swap3A_33] : memref<1x64x16384xf32, #tpu.memory_space<vmem>>, vector<1x64x8192xf32>
    %swap3A_35 = vector.shape_cast %swap3A_34 : vector<1x64x8192xf32> to vector<64x8192xf32>
    %swap3A_36 = vector.shape_cast %slice3A_30 : vector<64x8192xf32> to vector<1x64x8192xf32>
    tpu.vector_store %arg6[%swap3A_31, %swap3A_32, %swap3A_33], %swap3A_36 {strides = array<i32>} : memref<1x64x16384xf32, #tpu.memory_space<vmem>>, vector<1x64x8192xf32>,
    return
  }
  func.func @transform_0(%arg0: i32) -> (i32, i32) {
    %c0_i32 = arith.constant 0 : i32
    %c0_i32_0 = arith.constant 0 : i32
    return %arg0, %c0_i32 : i32, i32
  }
  func.func @transform_1(%arg0: i32) -> (i32, i32) {
    %c0_i32 = arith.constant 0 : i32
    %c0_i32_0 = arith.constant 0 : i32
    %c0_i32_1 = arith.constant 0 : i32
    return %c0_i32, %c0_i32_0 : i32, i32
  }
  func.func @transform_2(%arg0: i32) -> (i32, i32) {
    %c0_i32 = arith.constant 0 : i32
    %c0_i32_0 = arith.constant 0 : i32
    %c0_i32_1 = arith.constant 0 : i32
    return %c0_i32, %c0_i32_0 : i32, i32
  }
  func.func @transform_3(%arg0: i32) -> (i32, i32) {
    %c0_i32 = arith.constant 0 : i32
    %c0_i32_0 = arith.constant 0 : i32
    %c0_i32_1 = arith.constant 0 : i32
    return %c0_i32, %c0_i32_0 : i32, i32
  }
  func.func @transform_4(%arg0: i32) -> (i32, i32) {
    %c0_i32 = arith.constant 0 : i32
    %c0_i32_0 = arith.constant 0 : i32
    %c0_i32_1 = arith.constant 0 : i32
    return %c0_i32, %c0_i32_0 : i32, i32
  }
  func.func @transform_5(%arg0: i32) -> (i32, i32, i32) {
    %c0_i32 = arith.constant 0 : i32
    %c0_i32_0 = arith.constant 0 : i32
    %c0_i32_1 = arith.constant 0 : i32
    return %arg0, %c0_i32, %c0_i32_0 : i32, i32, i32
  }
}

</mosaic_0001>

<sc_bundles>
// kernel: kernel.4.cloned.1.call-start
scs
__scs_entry_jumppad:
0x0: {  	(pc) =	sbr.rel $0x88, $3  }
0x1: {  	(tag) =	ssettag $0x0;
	lr =	simm.s32 $0x1  }
0x2: {  	[smem:$0x3F9B] =	sst lr;
	_ =	strace $0xD0000000  }
0x3: {  	_ = 	snop  }
0x4: {  	_ = 	snop  }
0x5: {  	_ = 	snop  }
0x6: {  	_ = 	snop  }
0x7: {  	_ = 	snop  }
__scs_overlays_trampoline_lowered:
0x8: {  	[smem:$0x3FAA] =	sst s0  }
0x9: {  	[smem:$0x3FAB] =	sst s1  }
0xa: {  	[smem:$0x3FAC] =	sst s2  }
0xb: {  	[smem:$0x3FAD] =	sst s3  }
0xc: {  	[smem:$0x3FAE] =	sst s4  }
0xd: {  	[smem:$0x3FAF] =	sst s5  }
0xe: {  	[smem:$0x3FB0] =	sst s6  }
0xf: {  	[smem:$0x3FB1] =	sst s7  }
0x10: {  	[smem:$0x3FB2] =	sst s8  }
0x11: {  	[smem:$0x3FB3] =	sst s9;
	s0 =	simm.s32 @!p0 $0x0  }
0x12: {  	s1 =	sld [smem:$0x3F99];
	s0 =	simm.s32 @p0 $0x1  }
0x13: {  	[smem:$0x3FB4] =	sst s0;
	s0 =	simm.s32 @!p1 $0x0  }
0x14: {  	s2 =	sld [smem:$0x3F98];
	s0 =	simm.s32 @p1 $0x1  }
0x15: {  	[smem:$0x3FB5] =	sst s0;
	s0 =	simm.s32 @!p2 $0x0  }
0x16: {  	s3 =	sld [smem:$0x3FDB];
	s0 =	simm.s32 @p2 $0x1  }
0x17: {  	s4 =	simm.s32 $0x1BF5;
	[smem:$0x3FB7] =	sst s0  }
0x18: {  	s0 =	sld [smem:$0x3F9A];
	_ =	swait.ge [sflag:s4], $0x0  }
0x19: {  	s7 =	sld [smem:$0x3F9B]  }
0x1a: {  	s8 =	sadd.s32 $0xFFFFE003, lr  }
0x1b: {  	s9 =	sadd.s32 $0xFFFFFEF7, lr;
	s5 =	simm.s32 $0xFFFFFFFF;
	p2 =	slt.u32 s8, $0xFFFFF086  }
0x1c: {  	p1 =	slt.u32 s9, $0xF7A;
	s5 =	simm.s32 @!p2 $0x0  }
0x1d: {  	s5 =	simm.s32 @p1 $0x1;
	p0 =	seq.s32 s7, s2  }
0x1e: {  	s7 =	smul.u32 @!p0 $0xF7A, s2;
	p2 =	seq.s32 @!p0 s5, $0x0  }
0x1f: {  	s9 =	smul.u32 $0xF7A, s1;
	s8 =	simm.s32 @!p0 $0x1BF5;
	p2 =	por !p2, p0  }
0x20: {  	[sflag:s8] =	ssyncset.s32 @!p0 $0xFFFFF086;
	s6 =	sadd.s32 @!p0 s3, s7;
	s7 =	simm.s32 @!p0 $0x108  }
0x21: {  	s3 =	sadd.s32 s3, s9;
	s6 =	sadd.s32 @!p0 $0x88, s6;
	s7 =	simm.s32 @p2 $0x1082  }
0x22: {  	[simem:s7], [sflag:s8] =	dma.local @!p0 [hbm:s6], $0xF7A  }
0x23: {  	s9 =	sor.u32 $0xD0000000, s2;
	s6 =	simm.s32 $0x108;
	_ =	swait.ge @!p0 [sflag:s8], $0x0  }
0x24: {  	s3 =	sadd.s32 $0x88, s3;
	s6 =	simm.s32 @!p1 $0x1082;
	[sflag:s4] =	ssyncset.s32 $0xFFFFF086  }
0x25: {  	[simem:s6], [sflag:s4] =	dma.local [hbm:s3], $0xF7A  }
0x26: {  	[smem:$0x3F9B] =	sst s1;
	(tag) =	ssettag s2;
	_ =	strace s9  }
0x27: {  	s1 =	sld [smem:$0x3FAB]  }
0x28: {  	s2 =	sld [smem:$0x3FAC]  }
0x29: {  	s4 =	sld [smem:$0x3FAE]  }
0x2a: {  	p0 =	seq.s32 s5, $0x0;
	s5 =	sld [smem:$0x3FAF]  }
0x2b: {  	s6 =	sld [smem:$0x3FB0]  }
0x2c: {  	s7 =	sld [smem:$0x3FB1]  }
0x2d: {  	s3 =	simm.s32 $0x108;
	s8 =	sld [smem:$0x3FB2]  }
0x2e: {  	s3 =	simm.s32 @!p0 $0x1082;
	s9 =	sld [smem:$0x3FB3]  }
0x2f: {  	lr =	sadd.s32 s0, s3;
	s0 =	sld [smem:$0x3FAA]  }
0x30: {  	s3 =	sld [smem:$0x3FAD]  }
0x31: {  	[smem:$0x3FB6] =	sst s10  }
0x32: {  	s10 =	sld [smem:$0x3FB4];
	_ =	sdelay $0x3  }
0x33: {  	p0 =	seq.s32 s10, $0x1;
	s10 =	sld [smem:$0x3FB6];
	_ =	sdelay $0x3  }
0x34: {  	[smem:$0x3FB6] =	sst s10  }
0x35: {  	s10 =	sld [smem:$0x3FB5];
	_ =	sdelay $0x3  }
0x36: {  	p1 =	seq.s32 s10, $0x1;
	s10 =	sld [smem:$0x3FB6];
	_ =	sdelay $0x3  }
0x37: {  	[smem:$0x3FB6] =	sst s10  }
0x38: {  	s10 =	sld [smem:$0x3FB7]  }
0x39: {  	_ = 	snop;
	(pc) =	sbr.ind lr, $3  }
0x3a: {  	_ = 	snop  }
0x3b: {  	_ = 	snop  }
0x3c: {  	p2 =	seq.s32 s10, $0x1;
	s10 =	sld [smem:$0x3FB6]  }
0x3d: {  	_ =	shalt  }
0x3e: {  	_ =	shalt  }
0x3f: {  	_ =	shalt  }
0x40: {  	_ =	shalt  }
0x41: {  	_ =	shalt  }
0x42: {  	_ =	shalt  }
0x43: {  	_ =	shalt  }
0x44: {  	_ =	shalt  }
0x45: {  	_ =	shalt  }
0x46: {  	_ =	shalt  }
0x47: {  	_ =	shalt  }
0x48: {  	_ =	shalt  }
0x49: {  	_ =	shalt  }
0x4a: {  	_ =	shalt  }
0x4b: {  	_ =	shalt  }
0x4c: {  	_ =	shalt  }
0x4d: {  	_ =	shalt  }
0x4e: {  	_ =	shalt  }
0x4f: {  	_ =	shalt  }
0x50: {  	_ =	shalt  }
0x51: {  	_ =	shalt  }
0x52: {  	_ =	shalt  }
0x53: {  	_ =	shalt  }
0x54: {  	_ =	shalt  }
0x55: {  	_ =	shalt  }
0x56: {  	_ =	shalt  }
0x57: {  	_ =	shalt  }
0x58: {  	_ =	shalt  }
0x59: {  	_ =	shalt  }
0x5a: {  	_ =	shalt  }
0x5b: {  	_ =	shalt  }
0x5c: {  	_ =	shalt  }
0x5d: {  	_ =	shalt  }
0x5e: {  	_ =	shalt  }
0x5f: {  	_ =	shalt  }
0x60: {  	_ =	shalt  }
0x61: {  	_ =	shalt  }
0x62: {  	_ =	shalt  }
0x63: {  	_ =	shalt  }
0x64: {  	_ =	shalt  }
0x65: {  	_ =	shalt  }
0x66: {  	_ =	shalt  }
0x67: {  	_ =	shalt  }
0x68: {  	_ =	shalt  }
0x69: {  	_ =	shalt  }
0x6a: {  	_ =	shalt  }
0x6b: {  	_ =	shalt  }
0x6c: {  	_ =	shalt  }
0x6d: {  	_ =	shalt  }
0x6e: {  	_ =	shalt  }
0x6f: {  	_ =	shalt  }
0x70: {  	_ =	shalt  }
0x71: {  	_ =	shalt  }
0x72: {  	_ =	shalt  }
0x73: {  	_ =	shalt  }
0x74: {  	_ =	shalt  }
0x75: {  	_ =	shalt  }
0x76: {  	_ =	shalt  }
0x77: {  	_ =	shalt  }
0x78: {  	_ =	shalt  }
0x79: {  	_ =	shalt  }
0x7a: {  	_ =	shalt  }
0x7b: {  	_ =	shalt  }
0x7c: {  	_ =	shalt  }
0x7d: {  	_ =	shalt  }
0x7e: {  	_ =	shalt  }
0x7f: {  	_ =	shalt  }
0x80: {  	_ =	shalt  }
0x81: {  	_ =	shalt  }
0x82: {  	_ =	shalt  }
0x83: {  	_ =	shalt  }
0x84: {  	_ =	shalt  }
0x85: {  	_ =	shalt  }
0x86: {  	_ =	shalt  }
0x87: {  	_ =	shalt  }
.Lfunc_end0:
.L_simem_size_0:
called_computation_lowered:
.L_overlay_start_0:
0x88: {  	s2 =	sld [smem:$0x3FD9]  }
0x89: {  	s3 =	sld [smem:$0x3FFE];
	_ =	sdelay $0x1  }
0x8a: {  	s1 =	srdreg.scid  }
0x8b: {  	s0 =	sand.u32 $0x1, s1  }
0x8c: {  	s17 =	sshll.u32 s0, $0xA;
	s2 =	sadd.s32 s3, s2  }
0x8d: {  	s2 =	sadd.s32 s2, s17  }
0x8e: {  	[smem:$0x3FC2] =	sst s2  }
0x8f: {  	_ = 	snop  }
0x90: {  	s2 =	sld [smem:$0x3FD0];
	(tm) =	ssettm $0x1  }
0x91: {  	s18 =	sld [smem:$0x3FFB];
	_ =	sdelay $0x3  }
0x92: {  	_ =	strace s18  }
0x93: {  	s3 =	sld [smem:$0x3FFC];
	_ =	sdelay $0x3  }
0x94: {  	_ =	strace s3  }
0x95: {  	s3 =	sld [smem:$0x3FFD];
	_ =	sdelay $0x3  }
0x96: {  	_ =	strace s3  }
0x97: {  	_ =	strace $0x8FFFFFFF  }
0x98: {  	s19 =	sld [smem:$0x3FDB];
	_ =	sdelay $0x1  }
0x99: {  	s4 =	simm.s32 $_scs_section_size  }
0x9a: {  	s5 =	simm.s32 $_size__tile_overlayer_lowered;
	s6 =	simm.s32 $_tile_overlayer_lowered  }
0x9b: {  	s22 =	simm.s32 $0x1BFF;
	s21 =	sshll.u32 s6, $0x1;
	s3 =	sadd.s32 s4, s19  }
0x9c: {  	s7 =	simm.s32 $0x0;
	s20 =	sshll.u32 s5, $0x1;
	s5 =	sadd.s32 s21, s3  }
0x9d: {  	[timem:s7], [sflag:s22] =	dma.local [hbm:s5], s20  }
0x9e: {  	_ =	swait.ge [sflag:s22], s20  }
0x9f: {  	s4 =	ssub.s32 $0x0, s20;
	[sflag:s22] =	ssyncset.done $0x0  }
0xa0: {  	[sflag:s22] =	ssyncadd.s32 s4;
	_ =	sdelay $0x1  }
0xa1: {  	s23 =	simm.s32 $0x1B8B  }
0xa2: {  	_ =	swait.ge [sflag:s23], $0x1  }
0xa3: {  	[sflag:s23] =	ssyncset.done $0x0  }
0xa4: {  	s25 =	simm.s32 $0x1B8E;
	s24 =	sld [smem:$0x3FFE];
	[sflag:s23] =	ssyncadd.s32 $0xFFFFFFFF  }
0xa5: {  	s26 =	simm.s32 $execute0_lowered;
	[smem:$0x3FD2] =	sst s25  }
0xa6: {  	s5 =	sshll.u32 s26, $0x1;
	_ =	strace $0x80000046;
	[dreg:$0x1] =	wrdreg $0xFFFFFFFF  }
0xa7: {  	s28 =	simm.s32 $_size_execute0_lowered;
	s3 =	sadd.s32 s3, s5;
	[dreg:$0x0] =	wrdreg $0x0  }
0xa8: {  	s5 =	sshll.u32 s28, $0x1;
	[dreg:$0x2] =	wrdreg s3  }
0xa9: {  	[dreg:$0x3] =	wrdreg s5  }
0xaa: {  	[dreg:$0x4] =	wrdreg $0xC0  }
0xab: {  	_ =	task [dreg:s7], $0x5FFFF  }
0xac: {  	[dreg:$0x1] =	wrdreg $0xFFFFFFFF  }
0xad: {  	[dreg:$0x0] =	wrdreg $0x60  }
0xae: {  	[dreg:$0x2] =	wrdreg s24  }
0xaf: {  	[dreg:$0x3] =	wrdreg s2  }
0xb0: {  	[dreg:$0x4] =	wrdreg $0x9  }
0xb1: {  	_ =	task.clear_ibuf [dreg:s7], $0x5FFFF;
	_ =	strace $0x90000046  }
0xb2: {  	s29 =	simm.s32 $0x9;
	_ =	strace $0x80000048  }
0xb3: {  	_ =	swait.ge [sflag:s29], $0x1  }
0xb4: {  	[sflag:s29] =	ssyncadd.s32 $0xFFFFFFFF  }
0xb5: {  	_ =	strace $0x90000048  }
0xb6: {  	_ =	sfence  }
0xb7: {  	s30 =	sld [smem:$0x0];
	_ =	sdelay $0x2  }
0xb8: {  	s31 =	sshll.u32 s1, $0xD;
	s1 =	sshrl.u32 s1, $0x2  }
0xb9: {  	s3 =	sand.u32 $0x4000, s31;
	s1 =	sadd.s32 s1, s30  }
0xba: {  	s0 =	sor.u32 s3, s0;
	s1 =	sshll.u32 s1, $0x11  }
0xbb: {  	s0 =	sor.u32 s1, s0  }
0xbc: {  	s0 =	sadd.s32 $0x8F2B, s0  }
0xbd: {  	[sflag:s0] =	ssyncadd.remote.s32 $0x1  }
0xbe: {  	_ =	sfence.sel $0xFFFF  }
0xbf: {  	[dreg:$0x0] =	wrdreg $0xFFFFFFFF;
	(pc) =	sbr.abs _section_cstart, $3  }
0xc0: {  	[dreg:$0x1] =	wrdreg $0xFFFFFFFF  }
0xc1: {  	_ =	task.clear_ibuf [dreg:s7], $0x2FFFF;
	_ =	strace $0x9FFFFFFF  }
0xc2: {  	(tm) =	ssettm $0x7FFFFFFF  }
0xc3: {  	_ =	shalt  }
tec
execute0_lowered:
.L_overlay_start_1:
0x0: {  	(tag) =	ssettag $0x1  }
0x1: {  	s1 =	srdreg.scid;
	s0 =	stileid.u32  }
0x2: {  	s4 =	rddreg [dreg:$0x0];
	s8 =	smul.u32 $0x640000, s0  }
0x3: {  	s6 =	rddreg [dreg:$0x1];
	s10 =	smul.u32 $0xC800, s0  }
0x4: {  	s2 =	simm.s32 $0x0;
	s5 =	sand.u32 $0x1, s1;
	s14 =	smul.u32 $0x320000, s0  }
0x5: {  	s15 =	simm.s32 $0x0;
	s30 =	sshll.u32 s0, $0x1;
	s9 =	smul.u32 $0x320000, s5  }
0x6: {  	[smem:$0x7FF] =	sst s2;
	s3 =	sadd.s32 $0xF43400, s4;
	s12 =	smul.u32 $0x6400, s5  }
0x7: {  	s1 =	sor.u32 s5, s30;
	s11 =	ssub.s32 $0x2, s5;
	s31 =	smul.u32 $0x190000, s5  }
0x8: {  	s4 =	sadd.s32 $0x1000, s4;
	s7 =	smul.u32 $0x6400, s1;
	s13 =	sshrl.u32 s11, $0x1  }
0x9: {  	s1 =	rddreg [dreg:$0x2];
	_ =	strace $0x80000047;
	s11 =	ssub.s32 s11, s13  }
0xa: {  	s10 =	sadd.s32 s12, s10;
	s12 =	simm.s32 $0x6400;
	s7 =	sshrl.u32 s7, $0x3  }
0xb: {  	s13 =	simm.s32 $0x1;
	s5 =	sadd.s32 s6, s7;
	s6 =	smax.u32 s11, $0x1  }
0xc: {  	s7 =	sadd.s32 s9, s8;
	s8 =	sshrl.u32 s10, $0x7;
	s9 =	sadd.s32 s31, s14  }
0xd: {  	s10 =	simm.s32 $0x2;
	s11 =	simm.s32 $0x80;
	s14 =	simm.s32 $0x40  }
.LBB2_1:
0xe: {  	[tilespmem:s2], [sflag:$0x2] =	stream.linear.gather [hbm4b:s5+s2], $0x6400, $0x38;
	[tilespmem:$0x8400] =	vst v63  }
0xf: {  	s16 =	sand.u32 $0x7FF00000, s9;
	_ =	swait.ge [sflag:s10], $0x6400  }
0x10: {  	s17 =	sand.u32 $0xFC000, s7;
	s18 =	sadd.s32 $0x0, s8;
	[sflag:s10] =	ssyncset.done $0x0  }
0x11: {  	s16 =	sor.u32 s17, s16;
	s31 =	sand.u32 $0x40, s18;
	[sflag:s10] =	ssyncadd.s32 $0xFFFF9C00  }
0x12: {  	[tilespmem:s12], [sflag:$0x1] =	stream.indirect.gather [hbm4b:s3+s11], $0x40, s2, s11, $0xb8;
	[tilespmem:$0x8400] =	vst v63  }
0x13: {  	s16 =	sor.u32 s31, s16;
	_ =	swait.ge [sflag:s13], $0x2000  }
0x14: {  	s16 =	sshrl.u32 s16, $0x3;
	[sflag:s13] =	ssyncset.done $0x0  }
0x15: {  	s16 =	sadd.s32 s4, s16;
	[sflag:s13] =	ssyncadd.s32 $0xFFFFE000  }
0x16: {  	[hbm4b:s16+s14] =	stream.strided.scatter [tilespmem:s12], [sflag:$0x2], $0x2000, s11, s14, $0x38;
	[tilespmem:$0x8400] =	vst v63  }
0x17: {  	s19 =	smov.u32 s7;
	s17 =	sadd.s32 $0x2000, s9;
	_ =	swait.ge [sflag:s10], $0x2000  }
0x18: {  	s18 =	simm.s32 $0x0;
	s16 =	simm.s32 $0x1;
	[sflag:s10] =	ssyncset.done $0x0  }
.LBB2_2:
0x19: {  	[sflag:s10] =	ssyncadd.s32 $0xFFFFE000;
	s18 =	sadd.s32 $0x80, s18;
	s19 =	sadd.s32 $0x4000, s19  }
0x1a: {  	[tilespmem:s12], [sflag:$0x1] =	stream.indirect.gather [hbm4b:s3+s11], $0x40, s18, s11, $0xb8;
	[tilespmem:$0x8400] =	vst v63  }
0x1b: {  	s20 =	sand.u32 $0x7FF00000, s17;
	s22 =	sadd.s32 s16, s8;
	s21 =	sand.u32 $0xFC000, s19  }
0x1c: {  	p0 =	sne.s32 s16, $0xC7;
	s20 =	sor.u32 s21, s20;
	s21 =	sand.u32 $0x40, s22  }
0x1d: {  	s16 =	sadd.s32 $0x1, s16;
	s20 =	sor.u32 s21, s20;
	_ =	swait.ge [sflag:s13], $0x2000  }
.Ltmp0:
0x1e: {  	s20 =	sshrl.u32 s20, $0x3;
	[sflag:s13] =	ssyncset.done $0x0;
	(pc) =	sbr.rel @p0 .LBB2_2-.Ltmp0, $4  }
0x1f: {  	s20 =	sadd.s32 s4, s20;
	[sflag:s13] =	ssyncadd.s32 $0xFFFFE000  }
0x20: {  	[hbm4b:s20+s14] =	stream.strided.scatter [tilespmem:s12], [sflag:$0x2], $0x2000, s11, s14, $0x38;
	[tilespmem:$0x8400] =	vst v63  }
0x21: {  	_ =	swait.ge [sflag:s10], $0x2000  }
0x22: {  	s17 =	sadd.s32 $0x2000, s17;
	[sflag:s10] =	ssyncset.done $0x0  }
0x23: {  	s15 =	sadd.s32 $0x1, s15  }
0x24: {  	p0 =	sne.s32 s15, s6  }
.Ltmp1:
0x25: {  	_ = 	snop;
	(pc) =	sbr.rel @p0 .LBB2_1-.Ltmp1, $2  }
0x26: {  	_ =	sdelay $0x2  }
0x27: {  	[sflag:s10] =	ssyncadd.s32 $0xFFFFE000  }
0x28: {  	_ =	sfence.sel $0x180000  }
0x29: {  	[bflag:$0x0] =	sbarrier.arrive $0xFFFF  }
0x2a: {  	p0 =	sne.s32 s0, $0x0;
	_ =	strace $0x90000047  }
0x2b: {  	s0 =	sadd.s32 @!p0 $0x100000, s1;
	[bflag:$0x2] =	sbarrier.arrive $0xFFFF  }
0x2c: {  	[sflag:s0] =	ssyncadd.tile.s32 @!p0 $0x1;
	_ =	shalt  }
.Lfunc_end2:
_tile_overlayer_lowered:
.L_overlay_start_2:
0x2d: {  	(tag) =	ssettag $0x2  }
0x2e: {  	s0 =	rddreg [dreg:$0x0];
	s2 =	stileid.u32  }
0x2f: {  	s1 =	rddreg [dreg:$0x1];
	p0 =	sne.s32 s2, $0x0  }
0x30: {  	s3 =	rddreg [dreg:$0x2];
	[bflag:$0x3] =	sbarrier.arrive $0xFFFF;
	s2 =	simm.s32 @!p0 $0x1C02  }
0x31: {  	[timem:s3], [sflag:s2] =	dma.local @!p0 [hbm:s0], s1  }
0x32: {  	s0 =	simm.s32 @!p0 $0x2  }
0x33: {  	_ =	swait.ge @!p0 [sflag:s0], s1  }
0x34: {  	s1 =	ssub.s32 @!p0 $0x0, s1;
	[sflag:s0] =	ssyncset.done @!p0 $0x0  }
0x35: {  	[sflag:s0] =	ssyncadd.s32 @!p0 s1  }
0x36: {  	[bflag:$0x3] =	sbarrier.arrive $0xFFFF  }
0x37: {  	_ =	shalt  }

</sc_bundles>
